<compile_context>
chip_gen: v7x
topology: tpu7x:2x2x1
jax: 0.10.2.dev20260603
libtpu: 0.0.44.dev20260713+nightly
codegen_flags: <defaults>
</compile_context>

<pallas_src>
import functools

import jax
import jax.numpy as jnp
from jax import lax
from jax.experimental import pallas as pl
from jax.experimental.pallas import tpu as pltpu
from jax.experimental.pallas import tpu_sc as plsc

_NC = 2
_NS = 16
_NW = _NC * _NS
_NBUF = 4
_LOOK = 2


@functools.partial(jax.jit, static_argnames=("chunk",))
def _gather_rows(position_ids, table, chunk=16):
    (bsz, seq) = position_ids.shape
    (vocab, dim) = table.shape
    total = bsz * seq
    b_per_w = total // _NW
    n_chunks = b_per_w // chunk
    assert n_chunks % _NBUF == 0 and n_chunks >= 2 * _NBUF

    idx2d = position_ids.reshape(_NW * n_chunks, chunk)

    mesh = plsc.VectorSubcoreMesh(core_axis_name="c", subcore_axis_name="s")

    rows_t = pltpu.VMEM((chunk, dim), jnp.float32)

    @functools.partial(
        pl.kernel,
        mesh=mesh,
        out_type=jax.ShapeDtypeStruct((total, dim), jnp.float32),
        scratch_types=[
            pltpu.VMEM((n_chunks, chunk), jnp.int32),
            [rows_t] * _NBUF,
            [pltpu.SemaphoreType.DMA] * _NBUF,
            [pltpu.SemaphoreType.DMA] * _NBUF,
        ],
    )
    def k(idx_hbm, table_hbm, out_hbm, idx_v, rows, gsem, wsem):
        wid = lax.axis_index("s") * _NC + lax.axis_index("c")
        base = wid * b_per_w
        pltpu.sync_copy(idx_hbm.at[pl.ds(wid * n_chunks, n_chunks)], idx_v)

        def gstart(j, b):
            pltpu.async_copy(table_hbm.at[idx_v.at[j]], rows[b], gsem[b])

        def gwait(b):
            pltpu.make_async_copy(
                table_hbm.at[idx_v.at[0]], rows[b], gsem[b]
            ).wait()

        def wstart(j, b):
            pltpu.async_copy(
                rows[b], out_hbm.at[pl.ds(base + j * chunk, chunk)], wsem[b]
            )

        def wwait(b):
            pltpu.make_async_copy(
                rows[b], out_hbm.at[pl.ds(base, chunk)], wsem[b]
            ).wait()

        for b in range(_LOOK):
            gstart(b, b)

        def body(i, _):
            for b in range(_NBUF):
                j = i * _NBUF + b
                gwait(b)
                wstart(j, b)
                bn = (b + _LOOK) % _NBUF

                @pl.when(jnp.logical_and(j + _LOOK < n_chunks, j >= _LOOK))
                def _():
                    wwait(bn)

                @pl.when(j + _LOOK < n_chunks)
                def _():
                    gstart(j + _LOOK, bn)

            return 0

        lax.fori_loop(0, n_chunks // _NBUF, body, 0)

        for b in range(_NBUF):
            wwait(b)

    out = k(idx2d, table)
    return out.reshape(bsz, seq, dim)


def kernel(position_ids, table):
    return _gather_rows(position_ids.astype(jnp.int32), table)

# --- scband reference (transcript-rebuilt; emitter-appended) ---
"""Pipeline reference for scband-learned-positional-embedding-27238682591651 (READ-ONLY COPY).

The authoritative reference and input builder live on the scoring server;
editing this copy changes nothing except your own understanding.
"""

import jax, jax.numpy as jnp
import numpy as np

MAX_SEQ_LEN = 8192
EMBEDDING_DIM = 1024
BATCH = 4
SEQ_LEN = 8192

def setup_inputs(seed: int = 0) -> dict:
    key = jax.random.key(seed)
    k1, k2 = jax.random.split(key)
    position_ids = jax.random.randint(k1, (BATCH, SEQ_LEN), 0, MAX_SEQ_LEN, dtype=jnp.int64 if jax.config.jax_enable_x64 else jnp.int32)
    # nn.Embedding default init: N(0, 1)
    table = jax.random.normal(k2, (MAX_SEQ_LEN, EMBEDDING_DIM), dtype=jnp.float32)
    return {"position_ids": position_ids, "table": table}

def reference(position_ids, table):
    # nn.Embedding forward: gather rows of the table by index
    return jnp.take(table, position_ids, axis=0)

if __name__ == "__main__":
    import jax
    _d = setup_inputs()
    print(jax.jit(kernel)(*tuple(_d.values())))

</pallas_src>

<mosaic_0001>
#map = affine_map<(d0, d1) -> (0, 0)>
module attributes {stable_mosaic.version = 14 : i64} {
  func.func @k(%arg0: i32, %arg1: i32, %arg2: memref<2048x16xi32, #tpu.memory_space<hbm>>, %arg3: memref<8192x1024xf32, #tpu.memory_space<hbm>>, %arg4: memref<32768x1024xf32, #tpu.memory_space<hbm>>, %arg5: memref<64x16xi32, #tpu.memory_space<vmem>>, %arg6: memref<16x1024xf32, #tpu.memory_space<vmem>>, %arg7: memref<16x1024xf32, #tpu.memory_space<vmem>>, %arg8: memref<16x1024xf32, #tpu.memory_space<vmem>>, %arg9: memref<16x1024xf32, #tpu.memory_space<vmem>>, %arg10: memref<!tpu.dma_semaphore, #tpu.memory_space<semaphore_mem>>, %arg11: memref<!tpu.dma_semaphore, #tpu.memory_space<semaphore_mem>>, %arg12: memref<!tpu.dma_semaphore, #tpu.memory_space<semaphore_mem>>, %arg13: memref<!tpu.dma_semaphore, #tpu.memory_space<semaphore_mem>>, %arg14: memref<!tpu.dma_semaphore, #tpu.memory_space<semaphore_mem>>, %arg15: memref<!tpu.dma_semaphore, #tpu.memory_space<semaphore_mem>>, %arg16: memref<!tpu.dma_semaphore, #tpu.memory_space<semaphore_mem>>, %arg17: memref<!tpu.dma_semaphore, #tpu.memory_space<semaphore_mem>>) attributes {dimension_semantics = [#tpu.dimension_semantics<core_parallel>, #tpu.dimension_semantics<subcore_parallel>], iteration_bounds = array<i64: 2, 16>, scalar_prefetch = 0 : i64, scratch_operands = 13 : i64, tpu.core_type = #tpu.core_type<sc_vector_subcore>, window_params = [{transform_indices = #map}, {transform_indices = #map}, {transform_indices = #map}]} {
    %mul3A = arith.constant 2 : i32
    %mul3A_0 = arith.muli %arg1, %mul3A : i32
    %add3A = arith.addi %mul3A_0, %arg0 : i32
    %mul3A_1 = arith.constant 1024 : i32
    %mul3A_2 = arith.muli %add3A, %mul3A_1 : i32
    %mul3A_3 = arith.constant 64 : i32
    %mul3A_4 = arith.muli %add3A, %mul3A_3 : i32
    "tpu.region"() ({
      %run_scoped3A = tpu.sem_alloc : memref<!tpu.dma_semaphore, #tpu.memory_space<semaphore_mem>>
      %dma_start3A_39 = arith.constant 0 : i32
      %dma_start3A_40 = tpu.memref_slice %arg2[%mul3A_4, %dma_start3A_39] : memref<2048x16xi32, #tpu.memory_space<hbm>> -> memref<64x16xi32, #tpu.memory_space<hbm>>
      %dma_start3A_41 = arith.constant 0 : i32
      %dma_start3A_42 = tpu.memref_slice %arg2[%mul3A_4, %dma_start3A_41] : memref<2048x16xi32, #tpu.memory_space<hbm>> -> memref<64x16xi32, #tpu.memory_space<hbm>>
      tpu.enqueue_dma source(%dma_start3A_42 : memref<64x16xi32, #tpu.memory_space<hbm>>) target(%arg5 : memref<64x16xi32, #tpu.memory_space<vmem>>) target_semaphore(%run_scoped3A : memref<!tpu.dma_semaphore, #tpu.memory_space<semaphore_mem>>)
      %dma_wait3A_43 = arith.constant 0 : i32
      %dma_wait3A_44 = tpu.memref_slice %arg2[%mul3A_4, %dma_wait3A_43] : memref<2048x16xi32, #tpu.memory_space<hbm>> -> memref<64x16xi32, #tpu.memory_space<hbm>>
      %dma_wait3A_45 = arith.constant 0 : i32
      %dma_wait3A_46 = tpu.memref_slice %arg2[%mul3A_4, %dma_wait3A_45] : memref<2048x16xi32, #tpu.memory_space<hbm>> -> memref<64x16xi32, #tpu.memory_space<hbm>>
      tpu.wait_dma2 semaphore(%run_scoped3A : memref<!tpu.dma_semaphore, #tpu.memory_space<semaphore_mem>>) src(%dma_wait3A_46 : memref<64x16xi32, #tpu.memory_space<hbm>>) dst(%arg5 : memref<64x16xi32, #tpu.memory_space<vmem>>)
      tpu.yield
    }) : () -> ()
    %dma_start3A = arith.constant 0 : i32
    %dma_start3A_5 = arith.constant 0 : i32
    %dma_start3A_6 = tpu.memref_slice %arg5[%dma_start3A, %dma_start3A_5] : memref<64x16xi32, #tpu.memory_space<vmem>> -> memref<1x16xi32, #tpu.memory_space<vmem>>
    %dma_start3A_7 = tpu.memref_squeeze %dma_start3A_6 : memref<1x16xi32, #tpu.memory_space<vmem>> -> memref<16xi32, #tpu.memory_space<vmem>>
    %dma_start3A_8 = arith.constant 0 : i32
    %dma_start3A_9 = arith.constant 0 : i32
    %dma_start3A_10 = tpu.memref_slice %arg3[%dma_start3A_8, %dma_start3A_9] : memref<8192x1024xf32, #tpu.memory_space<hbm>> -> memref<8192x1024xf32, #tpu.memory_space<hbm>>
    tpu.enqueue_indirect_dma source(%dma_start3A_10 : memref<8192x1024xf32, #tpu.memory_space<hbm>>) target(%arg6 : memref<16x1024xf32, #tpu.memory_space<vmem>>) offsets(%dma_start3A_7 : memref<16xi32, #tpu.memory_space<vmem>>) semaphore(%arg10 : memref<!tpu.dma_semaphore, #tpu.memory_space<semaphore_mem>>)
    %dma_start3A_11 = arith.constant 1 : i32
    %dma_start3A_12 = arith.constant 0 : i32
    %dma_start3A_13 = tpu.memref_slice %arg5[%dma_start3A_11, %dma_start3A_12] : memref<64x16xi32, #tpu.memory_space<vmem>> -> memref<1x16xi32, #tpu.memory_space<vmem>>
    %dma_start3A_14 = tpu.memref_squeeze %dma_start3A_13 : memref<1x16xi32, #tpu.memory_space<vmem>> -> memref<16xi32, #tpu.memory_space<vmem>>
    %dma_start3A_15 = arith.constant 0 : i32
    %dma_start3A_16 = arith.constant 0 : i32
    %dma_start3A_17 = tpu.memref_slice %arg3[%dma_start3A_15, %dma_start3A_16] : memref<8192x1024xf32, #tpu.memory_space<hbm>> -> memref<8192x1024xf32, #tpu.memory_space<hbm>>
    tpu.enqueue_indirect_dma source(%dma_start3A_17 : memref<8192x1024xf32, #tpu.memory_space<hbm>>) target(%arg7 : memref<16x1024xf32, #tpu.memory_space<vmem>>) offsets(%dma_start3A_14 : memref<16xi32, #tpu.memory_space<vmem>>) semaphore(%arg11 : memref<!tpu.dma_semaphore, #tpu.memory_space<semaphore_mem>>)
    %scan3A = arith.constant 0 : i32
    %scan3A_18 = arith.constant 0 : i32
    %scan3A_19 = arith.constant 16 : i32
    %scan3A_20 = arith.addi %scan3A_18, %scan3A_19 : i32
    %scan3A_21 = arith.constant 1 : i32
    %scan3A_22 = scf.for %scan3A_39 = %scan3A_18 to %scan3A_20 step %scan3A_21 iter_args(%scan3A_40 = %scan3A) -> (i32)  : i32 {
      %mul3A_41 = arith.constant 4 : i32
      %mul3A_42 = arith.muli %scan3A_39, %mul3A_41 : i32
      %add3A_43 = arith.constant 0 : i32
      %add3A_44 = arith.addi %mul3A_42, %add3A_43 : i32
      %dma_wait3A_45 = arith.constant 0 : i32
      %dma_wait3A_46 = arith.constant 0 : i32
      %dma_wait3A_47 = tpu.memref_slice %arg5[%dma_wait3A_45, %dma_wait3A_46] : memref<64x16xi32, #tpu.memory_space<vmem>> -> memref<1x16xi32, #tpu.memory_space<vmem>>
      %dma_wait3A_48 = tpu.memref_squeeze %dma_wait3A_47 : memref<1x16xi32, #tpu.memory_space<vmem>> -> memref<16xi32, #tpu.memory_space<vmem>>
      %dma_wait3A_49 = arith.constant 0 : i32
      %dma_wait3A_50 = arith.constant 0 : i32
      %dma_wait3A_51 = tpu.memref_slice %arg3[%dma_wait3A_49, %dma_wait3A_50] : memref<8192x1024xf32, #tpu.memory_space<hbm>> -> memref<8192x1024xf32, #tpu.memory_space<hbm>>
      tpu.wait_indirect_dma semaphore(%arg10 : memref<!tpu.dma_semaphore, #tpu.memory_space<semaphore_mem>>) src(%dma_wait3A_51 : memref<8192x1024xf32, #tpu.memory_space<hbm>>) dst(%arg6 : memref<16x1024xf32, #tpu.memory_space<vmem>>)
      %mul3A_52 = arith.constant 16 : i32
      %mul3A_53 = arith.muli %add3A_44, %mul3A_52 : i32
      %add3A_54 = arith.addi %mul3A_2, %mul3A_53 : i32
      %dma_start3A_55 = arith.constant 0 : i32
      %dma_start3A_56 = tpu.memref_slice %arg4[%add3A_54, %dma_start3A_55] : memref<32768x1024xf32, #tpu.memory_space<hbm>> -> memref<16x1024xf32, #tpu.memory_space<hbm>>
      %dma_start3A_57 = arith.constant 0 : i32
      %dma_start3A_58 = tpu.memref_slice %arg4[%add3A_54, %dma_start3A_57] : memref<32768x1024xf32, #tpu.memory_space<hbm>> -> memref<16x1024xf32, #tpu.memory_space<hbm>>
      tpu.enqueue_dma source(%arg6 : memref<16x1024xf32, #tpu.memory_space<vmem>>) target(%dma_start3A_58 : memref<16x1024xf32, #tpu.memory_space<hbm>>) target_semaphore(%arg14 : memref<!tpu.dma_semaphore, #tpu.memory_space<semaphore_mem>>)
      %add3A_59 = arith.constant 2 : i32
      %add3A_60 = arith.addi %add3A_44, %add3A_59 : i32
      %lt3A = arith.constant 64 : i32
      %lt3A_61 = arith.cmpi slt, %add3A_60, %lt3A : i32
      %ge3A = arith.constant 2 : i32
      %ge3A_62 = arith.cmpi sge, %add3A_44, %ge3A : i32
      %and3A = arith.andi %lt3A_61, %ge3A_62 : i1
      %convert_element_type3A = arith.extui %and3A : i1 to i32
      %cond3A = arith.constant 0 : i32
      %cond3A_63 = arith.cmpi ne, %convert_element_type3A, %cond3A : i32
      scf.if %cond3A_63 {
        %dma_wait3A_177 = arith.constant 0 : i32
        %dma_wait3A_178 = tpu.memref_slice %arg4[%mul3A_2, %dma_wait3A_177] : memref<32768x1024xf32, #tpu.memory_space<hbm>> -> memref<16x1024xf32, #tpu.memory_space<hbm>>
        %dma_wait3A_179 = arith.constant 0 : i32
        %dma_wait3A_180 = tpu.memref_slice %arg4[%mul3A_2, %dma_wait3A_179] : memref<32768x1024xf32, #tpu.memory_space<hbm>> -> memref<16x1024xf32, #tpu.memory_space<hbm>>
        tpu.wait_dma2 semaphore(%arg16 : memref<!tpu.dma_semaphore, #tpu.memory_space<semaphore_mem>>) src(%arg8 : memref<16x1024xf32, #tpu.memory_space<vmem>>) dst(%dma_wait3A_180 : memref<16x1024xf32, #tpu.memory_space<hbm>>)
      } else {
      }
      %add3A_64 = arith.constant 2 : i32
      %add3A_65 = arith.addi %add3A_44, %add3A_64 : i32
      %lt3A_66 = arith.constant 64 : i32
      %lt3A_67 = arith.cmpi slt, %add3A_65, %lt3A_66 : i32
      %convert_element_type3A_68 = arith.extui %lt3A_67 : i1 to i32
      %cond3A_69 = arith.constant 0 : i32
      %cond3A_70 = arith.cmpi ne, %convert_element_type3A_68, %cond3A_69 : i32
      scf.if %cond3A_70 {
        %add3A_177 = arith.constant 2 : i32
        %add3A_178 = arith.addi %add3A_44, %add3A_177 : i32
        %dma_start3A_179 = arith.constant 0 : i32
        %dma_start3A_180 = tpu.memref_slice %arg5[%add3A_178, %dma_start3A_179] : memref<64x16xi32, #tpu.memory_space<vmem>> -> memref<1x16xi32, #tpu.memory_space<vmem>>
        %dma_start3A_181 = tpu.memref_squeeze %dma_start3A_180 : memref<1x16xi32, #tpu.memory_space<vmem>> -> memref<16xi32, #tpu.memory_space<vmem>>
        %dma_start3A_182 = arith.constant 0 : i32
        %dma_start3A_183 = arith.constant 0 : i32
        %dma_start3A_184 = tpu.memref_slice %arg3[%dma_start3A_182, %dma_start3A_183] : memref<8192x1024xf32, #tpu.memory_space<hbm>> -> memref<8192x1024xf32, #tpu.memory_space<hbm>>
        tpu.enqueue_indirect_dma source(%dma_start3A_184 : memref<8192x1024xf32, #tpu.memory_space<hbm>>) target(%arg8 : memref<16x1024xf32, #tpu.memory_space<vmem>>) offsets(%dma_start3A_181 : memref<16xi32, #tpu.memory_space<vmem>>) semaphore(%arg12 : memref<!tpu.dma_semaphore, #tpu.memory_space<semaphore_mem>>)
      } else {
      }
      %mul3A_71 = arith.constant 4 : i32
      %mul3A_72 = arith.muli %scan3A_39, %mul3A_71 : i32
      %add3A_73 = arith.constant 1 : i32
      %add3A_74 = arith.addi %mul3A_72, %add3A_73 : i32
      %dma_wait3A_75 = arith.constant 0 : i32
      %dma_wait3A_76 = arith.constant 0 : i32
      %dma_wait3A_77 = tpu.memref_slice %arg5[%dma_wait3A_75, %dma_wait3A_76] : memref<64x16xi32, #tpu.memory_space<vmem>> -> memref<1x16xi32, #tpu.memory_space<vmem>>
      %dma_wait3A_78 = tpu.memref_squeeze %dma_wait3A_77 : memref<1x16xi32, #tpu.memory_space<vmem>> -> memref<16xi32, #tpu.memory_space<vmem>>
      %dma_wait3A_79 = arith.constant 0 : i32
      %dma_wait3A_80 = arith.constant 0 : i32
      %dma_wait3A_81 = tpu.memref_slice %arg3[%dma_wait3A_79, %dma_wait3A_80] : memref<8192x1024xf32, #tpu.memory_space<hbm>> -> memref<8192x1024xf32, #tpu.memory_space<hbm>>
      tpu.wait_indirect_dma semaphore(%arg11 : memref<!tpu.dma_semaphore, #tpu.memory_space<semaphore_mem>>) src(%dma_wait3A_81 : memref<8192x1024xf32, #tpu.memory_space<hbm>>) dst(%arg7 : memref<16x1024xf32, #tpu.memory_space<vmem>>)
      %mul3A_82 = arith.constant 16 : i32
      %mul3A_83 = arith.muli %add3A_74, %mul3A_82 : i32
      %add3A_84 = arith.addi %mul3A_2, %mul3A_83 : i32
      %dma_start3A_85 = arith.constant 0 : i32
      %dma_start3A_86 = tpu.memref_slice %arg4[%add3A_84, %dma_start3A_85] : memref<32768x1024xf32, #tpu.memory_space<hbm>> -> memref<16x1024xf32, #tpu.memory_space<hbm>>
      %dma_start3A_87 = arith.constant 0 : i32
      %dma_start3A_88 = tpu.memref_slice %arg4[%add3A_84, %dma_start3A_87] : memref<32768x1024xf32, #tpu.memory_space<hbm>> -> memref<16x1024xf32, #tpu.memory_space<hbm>>
      tpu.enqueue_dma source(%arg7 : memref<16x1024xf32, #tpu.memory_space<vmem>>) target(%dma_start3A_88 : memref<16x1024xf32, #tpu.memory_space<hbm>>) target_semaphore(%arg15 : memref<!tpu.dma_semaphore, #tpu.memory_space<semaphore_mem>>)
      %add3A_89 = arith.constant 2 : i32
      %add3A_90 = arith.addi %add3A_74, %add3A_89 : i32
      %lt3A_91 = arith.constant 64 : i32
      %lt3A_92 = arith.cmpi slt, %add3A_90, %lt3A_91 : i32
      %ge3A_93 = arith.constant 2 : i32
      %ge3A_94 = arith.cmpi sge, %add3A_74, %ge3A_93 : i32
      %and3A_95 = arith.andi %lt3A_92, %ge3A_94 : i1
      %convert_element_type3A_96 = arith.extui %and3A_95 : i1 to i32
      %cond3A_97 = arith.constant 0 : i32
      %cond3A_98 = arith.cmpi ne, %convert_element_type3A_96, %cond3A_97 : i32
      scf.if %cond3A_98 {
        %dma_wait3A_177 = arith.constant 0 : i32
        %dma_wait3A_178 = tpu.memref_slice %arg4[%mul3A_2, %dma_wait3A_177] : memref<32768x1024xf32, #tpu.memory_space<hbm>> -> memref<16x1024xf32, #tpu.memory_space<hbm>>
        %dma_wait3A_179 = arith.constant 0 : i32
        %dma_wait3A_180 = tpu.memref_slice %arg4[%mul3A_2, %dma_wait3A_179] : memref<32768x1024xf32, #tpu.memory_space<hbm>> -> memref<16x1024xf32, #tpu.memory_space<hbm>>
        tpu.wait_dma2 semaphore(%arg17 : memref<!tpu.dma_semaphore, #tpu.memory_space<semaphore_mem>>) src(%arg9 : memref<16x1024xf32, #tpu.memory_space<vmem>>) dst(%dma_wait3A_180 : memref<16x1024xf32, #tpu.memory_space<hbm>>)
      } else {
      }
      %add3A_99 = arith.constant 2 : i32
      %add3A_100 = arith.addi %add3A_74, %add3A_99 : i32
      %lt3A_101 = arith.constant 64 : i32
      %lt3A_102 = arith.cmpi slt, %add3A_100, %lt3A_101 : i32
      %convert_element_type3A_103 = arith.extui %lt3A_102 : i1 to i32
      %cond3A_104 = arith.constant 0 : i32
      %cond3A_105 = arith.cmpi ne, %convert_element_type3A_103, %cond3A_104 : i32
      scf.if %cond3A_105 {
        %add3A_177 = arith.constant 2 : i32
        %add3A_178 = arith.addi %add3A_74, %add3A_177 : i32
        %dma_start3A_179 = arith.constant 0 : i32
        %dma_start3A_180 = tpu.memref_slice %arg5[%add3A_178, %dma_start3A_179] : memref<64x16xi32, #tpu.memory_space<vmem>> -> memref<1x16xi32, #tpu.memory_space<vmem>>
        %dma_start3A_181 = tpu.memref_squeeze %dma_start3A_180 : memref<1x16xi32, #tpu.memory_space<vmem>> -> memref<16xi32, #tpu.memory_space<vmem>>
        %dma_start3A_182 = arith.constant 0 : i32
        %dma_start3A_183 = arith.constant 0 : i32
        %dma_start3A_184 = tpu.memref_slice %arg3[%dma_start3A_182, %dma_start3A_183] : memref<8192x1024xf32, #tpu.memory_space<hbm>> -> memref<8192x1024xf32, #tpu.memory_space<hbm>>
        tpu.enqueue_indirect_dma source(%dma_start3A_184 : memref<8192x1024xf32, #tpu.memory_space<hbm>>) target(%arg9 : memref<16x1024xf32, #tpu.memory_space<vmem>>) offsets(%dma_start3A_181 : memref<16xi32, #tpu.memory_space<vmem>>) semaphore(%arg13 : memref<!tpu.dma_semaphore, #tpu.memory_space<semaphore_mem>>)
      } else {
      }
      %mul3A_106 = arith.constant 4 : i32
      %mul3A_107 = arith.muli %scan3A_39, %mul3A_106 : i32
      %add3A_108 = arith.constant 2 : i32
      %add3A_109 = arith.addi %mul3A_107, %add3A_108 : i32
      %dma_wait3A_110 = arith.constant 0 : i32
      %dma_wait3A_111 = arith.constant 0 : i32
      %dma_wait3A_112 = tpu.memref_slice %arg5[%dma_wait3A_110, %dma_wait3A_111] : memref<64x16xi32, #tpu.memory_space<vmem>> -> memref<1x16xi32, #tpu.memory_space<vmem>>
      %dma_wait3A_113 = tpu.memref_squeeze %dma_wait3A_112 : memref<1x16xi32, #tpu.memory_space<vmem>> -> memref<16xi32, #tpu.memory_space<vmem>>
      %dma_wait3A_114 = arith.constant 0 : i32
      %dma_wait3A_115 = arith.constant 0 : i32
      %dma_wait3A_116 = tpu.memref_slice %arg3[%dma_wait3A_114, %dma_wait3A_115] : memref<8192x1024xf32, #tpu.memory_space<hbm>> -> memref<8192x1024xf32, #tpu.memory_space<hbm>>
      tpu.wait_indirect_dma semaphore(%arg12 : memref<!tpu.dma_semaphore, #tpu.memory_space<semaphore_mem>>) src(%dma_wait3A_116 : memref<8192x1024xf32, #tpu.memory_space<hbm>>) dst(%arg8 : memref<16x1024xf32, #tpu.memory_space<vmem>>)
      %mul3A_117 = arith.constant 16 : i32
      %mul3A_118 = arith.muli %add3A_109, %mul3A_117 : i32
      %add3A_119 = arith.addi %mul3A_2, %mul3A_118 : i32
      %dma_start3A_120 = arith.constant 0 : i32
      %dma_start3A_121 = tpu.memref_slice %arg4[%add3A_119, %dma_start3A_120] : memref<32768x1024xf32, #tpu.memory_space<hbm>> -> memref<16x1024xf32, #tpu.memory_space<hbm>>
      %dma_start3A_122 = arith.constant 0 : i32
      %dma_start3A_123 = tpu.memref_slice %arg4[%add3A_119, %dma_start3A_122] : memref<32768x1024xf32, #tpu.memory_space<hbm>> -> memref<16x1024xf32, #tpu.memory_space<hbm>>
      tpu.enqueue_dma source(%arg8 : memref<16x1024xf32, #tpu.memory_space<vmem>>) target(%dma_start3A_123 : memref<16x1024xf32, #tpu.memory_space<hbm>>) target_semaphore(%arg16 : memref<!tpu.dma_semaphore, #tpu.memory_space<semaphore_mem>>)
      %add3A_124 = arith.constant 2 : i32
      %add3A_125 = arith.addi %add3A_109, %add3A_124 : i32
      %lt3A_126 = arith.constant 64 : i32
      %lt3A_127 = arith.cmpi slt, %add3A_125, %lt3A_126 : i32
      %ge3A_128 = arith.constant 2 : i32
      %ge3A_129 = arith.cmpi sge, %add3A_109, %ge3A_128 : i32
      %and3A_130 = arith.andi %lt3A_127, %ge3A_129 : i1
      %convert_element_type3A_131 = arith.extui %and3A_130 : i1 to i32
      %cond3A_132 = arith.constant 0 : i32
      %cond3A_133 = arith.cmpi ne, %convert_element_type3A_131, %cond3A_132 : i32
      scf.if %cond3A_133 {
        %dma_wait3A_177 = arith.constant 0 : i32
        %dma_wait3A_178 = tpu.memref_slice %arg4[%mul3A_2, %dma_wait3A_177] : memref<32768x1024xf32, #tpu.memory_space<hbm>> -> memref<16x1024xf32, #tpu.memory_space<hbm>>
        %dma_wait3A_179 = arith.constant 0 : i32
        %dma_wait3A_180 = tpu.memref_slice %arg4[%mul3A_2, %dma_wait3A_179] : memref<32768x1024xf32, #tpu.memory_space<hbm>> -> memref<16x1024xf32, #tpu.memory_space<hbm>>
        tpu.wait_dma2 semaphore(%arg14 : memref<!tpu.dma_semaphore, #tpu.memory_space<semaphore_mem>>) src(%arg6 : memref<16x1024xf32, #tpu.memory_space<vmem>>) dst(%dma_wait3A_180 : memref<16x1024xf32, #tpu.memory_space<hbm>>)
      } else {
      }
      %add3A_134 = arith.constant 2 : i32
      %add3A_135 = arith.addi %add3A_109, %add3A_134 : i32
      %lt3A_136 = arith.constant 64 : i32
      %lt3A_137 = arith.cmpi slt, %add3A_135, %lt3A_136 : i32
      %convert_element_type3A_138 = arith.extui %lt3A_137 : i1 to i32
      %cond3A_139 = arith.constant 0 : i32
      %cond3A_140 = arith.cmpi ne, %convert_element_type3A_138, %cond3A_139 : i32
      scf.if %cond3A_140 {
        %add3A_177 = arith.constant 2 : i32
        %add3A_178 = arith.addi %add3A_109, %add3A_177 : i32
        %dma_start3A_179 = arith.constant 0 : i32
        %dma_start3A_180 = tpu.memref_slice %arg5[%add3A_178, %dma_start3A_179] : memref<64x16xi32, #tpu.memory_space<vmem>> -> memref<1x16xi32, #tpu.memory_space<vmem>>
        %dma_start3A_181 = tpu.memref_squeeze %dma_start3A_180 : memref<1x16xi32, #tpu.memory_space<vmem>> -> memref<16xi32, #tpu.memory_space<vmem>>
        %dma_start3A_182 = arith.constant 0 : i32
        %dma_start3A_183 = arith.constant 0 : i32
        %dma_start3A_184 = tpu.memref_slice %arg3[%dma_start3A_182, %dma_start3A_183] : memref<8192x1024xf32, #tpu.memory_space<hbm>> -> memref<8192x1024xf32, #tpu.memory_space<hbm>>
        tpu.enqueue_indirect_dma source(%dma_start3A_184 : memref<8192x1024xf32, #tpu.memory_space<hbm>>) target(%arg6 : memref<16x1024xf32, #tpu.memory_space<vmem>>) offsets(%dma_start3A_181 : memref<16xi32, #tpu.memory_space<vmem>>) semaphore(%arg10 : memref<!tpu.dma_semaphore, #tpu.memory_space<semaphore_mem>>)
      } else {
      }
      %mul3A_141 = arith.constant 4 : i32
      %mul3A_142 = arith.muli %scan3A_39, %mul3A_141 : i32
      %add3A_143 = arith.constant 3 : i32
      %add3A_144 = arith.addi %mul3A_142, %add3A_143 : i32
      %dma_wait3A_145 = arith.constant 0 : i32
      %dma_wait3A_146 = arith.constant 0 : i32
      %dma_wait3A_147 = tpu.memref_slice %arg5[%dma_wait3A_145, %dma_wait3A_146] : memref<64x16xi32, #tpu.memory_space<vmem>> -> memref<1x16xi32, #tpu.memory_space<vmem>>
      %dma_wait3A_148 = tpu.memref_squeeze %dma_wait3A_147 : memref<1x16xi32, #tpu.memory_space<vmem>> -> memref<16xi32, #tpu.memory_space<vmem>>
      %dma_wait3A_149 = arith.constant 0 : i32
      %dma_wait3A_150 = arith.constant 0 : i32
      %dma_wait3A_151 = tpu.memref_slice %arg3[%dma_wait3A_149, %dma_wait3A_150] : memref<8192x1024xf32, #tpu.memory_space<hbm>> -> memref<8192x1024xf32, #tpu.memory_space<hbm>>
      tpu.wait_indirect_dma semaphore(%arg13 : memref<!tpu.dma_semaphore, #tpu.memory_space<semaphore_mem>>) src(%dma_wait3A_151 : memref<8192x1024xf32, #tpu.memory_space<hbm>>) dst(%arg9 : memref<16x1024xf32, #tpu.memory_space<vmem>>)
      %mul3A_152 = arith.constant 16 : i32
      %mul3A_153 = arith.muli %add3A_144, %mul3A_152 : i32
      %add3A_154 = arith.addi %mul3A_2, %mul3A_153 : i32
      %dma_start3A_155 = arith.constant 0 : i32
      %dma_start3A_156 = tpu.memref_slice %arg4[%add3A_154, %dma_start3A_155] : memref<32768x1024xf32, #tpu.memory_space<hbm>> -> memref<16x1024xf32, #tpu.memory_space<hbm>>
      %dma_start3A_157 = arith.constant 0 : i32
      %dma_start3A_158 = tpu.memref_slice %arg4[%add3A_154, %dma_start3A_157] : memref<32768x1024xf32, #tpu.memory_space<hbm>> -> memref<16x1024xf32, #tpu.memory_space<hbm>>
      tpu.enqueue_dma source(%arg9 : memref<16x1024xf32, #tpu.memory_space<vmem>>) target(%dma_start3A_158 : memref<16x1024xf32, #tpu.memory_space<hbm>>) target_semaphore(%arg17 : memref<!tpu.dma_semaphore, #tpu.memory_space<semaphore_mem>>)
      %add3A_159 = arith.constant 2 : i32
      %add3A_160 = arith.addi %add3A_144, %add3A_159 : i32
      %lt3A_161 = arith.constant 64 : i32
      %lt3A_162 = arith.cmpi slt, %add3A_160, %lt3A_161 : i32
      %ge3A_163 = arith.constant 2 : i32
      %ge3A_164 = arith.cmpi sge, %add3A_144, %ge3A_163 : i32
      %and3A_165 = arith.andi %lt3A_162, %ge3A_164 : i1
      %convert_element_type3A_166 = arith.extui %and3A_165 : i1 to i32
      %cond3A_167 = arith.constant 0 : i32
      %cond3A_168 = arith.cmpi ne, %convert_element_type3A_166, %cond3A_167 : i32
      scf.if %cond3A_168 {
        %dma_wait3A_177 = arith.constant 0 : i32
        %dma_wait3A_178 = tpu.memref_slice %arg4[%mul3A_2, %dma_wait3A_177] : memref<32768x1024xf32, #tpu.memory_space<hbm>> -> memref<16x1024xf32, #tpu.memory_space<hbm>>
        %dma_wait3A_179 = arith.constant 0 : i32
        %dma_wait3A_180 = tpu.memref_slice %arg4[%mul3A_2, %dma_wait3A_179] : memref<32768x1024xf32, #tpu.memory_space<hbm>> -> memref<16x1024xf32, #tpu.memory_space<hbm>>
        tpu.wait_dma2 semaphore(%arg15 : memref<!tpu.dma_semaphore, #tpu.memory_space<semaphore_mem>>) src(%arg7 : memref<16x1024xf32, #tpu.memory_space<vmem>>) dst(%dma_wait3A_180 : memref<16x1024xf32, #tpu.memory_space<hbm>>)
      } else {
      }
      %add3A_169 = arith.constant 2 : i32
      %add3A_170 = arith.addi %add3A_144, %add3A_169 : i32
      %lt3A_171 = arith.constant 64 : i32
      %lt3A_172 = arith.cmpi slt, %add3A_170, %lt3A_171 : i32
      %convert_element_type3A_173 = arith.extui %lt3A_172 : i1 to i32
      %cond3A_174 = arith.constant 0 : i32
      %cond3A_175 = arith.cmpi ne, %convert_element_type3A_173, %cond3A_174 : i32
      scf.if %cond3A_175 {
        %add3A_177 = arith.constant 2 : i32
        %add3A_178 = arith.addi %add3A_144, %add3A_177 : i32
        %dma_start3A_179 = arith.constant 0 : i32
        %dma_start3A_180 = tpu.memref_slice %arg5[%add3A_178, %dma_start3A_179] : memref<64x16xi32, #tpu.memory_space<vmem>> -> memref<1x16xi32, #tpu.memory_space<vmem>>
        %dma_start3A_181 = tpu.memref_squeeze %dma_start3A_180 : memref<1x16xi32, #tpu.memory_space<vmem>> -> memref<16xi32, #tpu.memory_space<vmem>>
        %dma_start3A_182 = arith.constant 0 : i32
        %dma_start3A_183 = arith.constant 0 : i32
        %dma_start3A_184 = tpu.memref_slice %arg3[%dma_start3A_182, %dma_start3A_183] : memref<8192x1024xf32, #tpu.memory_space<hbm>> -> memref<8192x1024xf32, #tpu.memory_space<hbm>>
        tpu.enqueue_indirect_dma source(%dma_start3A_184 : memref<8192x1024xf32, #tpu.memory_space<hbm>>) target(%arg7 : memref<16x1024xf32, #tpu.memory_space<vmem>>) offsets(%dma_start3A_181 : memref<16xi32, #tpu.memory_space<vmem>>) semaphore(%arg11 : memref<!tpu.dma_semaphore, #tpu.memory_space<semaphore_mem>>)
      } else {
      }
      %scan3A_176 = arith.constant 0 : i32
      scf.yield %scan3A_176 : i32
    }
    %scan3A_23 = arith.constant 16 : i32
    %dma_wait3A = arith.constant 0 : i32
    %dma_wait3A_24 = tpu.memref_slice %arg4[%mul3A_2, %dma_wait3A] : memref<32768x1024xf32, #tpu.memory_space<hbm>> -> memref<16x1024xf32, #tpu.memory_space<hbm>>
    %dma_wait3A_25 = arith.constant 0 : i32
    %dma_wait3A_26 = tpu.memref_slice %arg4[%mul3A_2, %dma_wait3A_25] : memref<32768x1024xf32, #tpu.memory_space<hbm>> -> memref<16x1024xf32, #tpu.memory_space<hbm>>
    tpu.wait_dma2 semaphore(%arg14 : memref<!tpu.dma_semaphore, #tpu.memory_space<semaphore_mem>>) src(%arg6 : memref<16x1024xf32, #tpu.memory_space<vmem>>) dst(%dma_wait3A_26 : memref<16x1024xf32, #tpu.memory_space<hbm>>)
    %dma_wait3A_27 = arith.constant 0 : i32
    %dma_wait3A_28 = tpu.memref_slice %arg4[%mul3A_2, %dma_wait3A_27] : memref<32768x1024xf32, #tpu.memory_space<hbm>> -> memref<16x1024xf32, #tpu.memory_space<hbm>>
    %dma_wait3A_29 = arith.constant 0 : i32
    %dma_wait3A_30 = tpu.memref_slice %arg4[%mul3A_2, %dma_wait3A_29] : memref<32768x1024xf32, #tpu.memory_space<hbm>> -> memref<16x1024xf32, #tpu.memory_space<hbm>>
    tpu.wait_dma2 semaphore(%arg15 : memref<!tpu.dma_semaphore, #tpu.memory_space<semaphore_mem>>) src(%arg7 : memref<16x1024xf32, #tpu.memory_space<vmem>>) dst(%dma_wait3A_30 : memref<16x1024xf32, #tpu.memory_space<hbm>>)
    %dma_wait3A_31 = arith.constant 0 : i32
    %dma_wait3A_32 = tpu.memref_slice %arg4[%mul3A_2, %dma_wait3A_31] : memref<32768x1024xf32, #tpu.memory_space<hbm>> -> memref<16x1024xf32, #tpu.memory_space<hbm>>
    %dma_wait3A_33 = arith.constant 0 : i32
    %dma_wait3A_34 = tpu.memref_slice %arg4[%mul3A_2, %dma_wait3A_33] : memref<32768x1024xf32, #tpu.memory_space<hbm>> -> memref<16x1024xf32, #tpu.memory_space<hbm>>
    tpu.wait_dma2 semaphore(%arg16 : memref<!tpu.dma_semaphore, #tpu.memory_space<semaphore_mem>>) src(%arg8 : memref<16x1024xf32, #tpu.memory_space<vmem>>) dst(%dma_wait3A_34 : memref<16x1024xf32, #tpu.memory_space<hbm>>)
    %dma_wait3A_35 = arith.constant 0 : i32
    %dma_wait3A_36 = tpu.memref_slice %arg4[%mul3A_2, %dma_wait3A_35] : memref<32768x1024xf32, #tpu.memory_space<hbm>> -> memref<16x1024xf32, #tpu.memory_space<hbm>>
    %dma_wait3A_37 = arith.constant 0 : i32
    %dma_wait3A_38 = tpu.memref_slice %arg4[%mul3A_2, %dma_wait3A_37] : memref<32768x1024xf32, #tpu.memory_space<hbm>> -> memref<16x1024xf32, #tpu.memory_space<hbm>>
    tpu.wait_dma2 semaphore(%arg17 : memref<!tpu.dma_semaphore, #tpu.memory_space<semaphore_mem>>) src(%arg9 : memref<16x1024xf32, #tpu.memory_space<vmem>>) dst(%dma_wait3A_38 : memref<16x1024xf32, #tpu.memory_space<hbm>>)
    return
  }
}

</mosaic_0001>

<sc_bundles>
// kernel: _gather_rows.3.cloned.1.call-start
scs
__scs_entry_jumppad:
0x0: {  	(pc) =	sbr.rel $0x88, $3  }
0x1: {  	(tag) =	ssettag $0x0;
	lr =	simm.s32 $0x1  }
0x2: {  	[smem:$0x3F9F] =	sst lr;
	_ =	strace $0xD0000000  }
0x3: {  	_ = 	snop  }
0x4: {  	_ = 	snop  }
0x5: {  	_ = 	snop  }
0x6: {  	_ = 	snop  }
0x7: {  	_ = 	snop  }
__scs_overlays_trampoline_lowered:
0x8: {  	[smem:$0x3FAE] =	sst s0  }
0x9: {  	[smem:$0x3FAF] =	sst s1  }
0xa: {  	[smem:$0x3FB0] =	sst s2  }
0xb: {  	[smem:$0x3FB1] =	sst s3  }
0xc: {  	[smem:$0x3FB2] =	sst s4  }
0xd: {  	[smem:$0x3FB3] =	sst s5  }
0xe: {  	[smem:$0x3FB4] =	sst s6  }
0xf: {  	[smem:$0x3FB5] =	sst s7  }
0x10: {  	[smem:$0x3FB6] =	sst s8  }
0x11: {  	[smem:$0x3FB7] =	sst s9;
	s0 =	simm.s32 @!p0 $0x0  }
0x12: {  	s1 =	sld [smem:$0x3F9D];
	s0 =	simm.s32 @p0 $0x1  }
0x13: {  	[smem:$0x3FB8] =	sst s0;
	s0 =	simm.s32 @!p1 $0x0  }
0x14: {  	s2 =	sld [smem:$0x3F9C];
	s0 =	simm.s32 @p1 $0x1  }
0x15: {  	[smem:$0x3FB9] =	sst s0;
	s0 =	simm.s32 @!p2 $0x0  }
0x16: {  	s3 =	sld [smem:$0x3FDB];
	s0 =	simm.s32 @p2 $0x1  }
0x17: {  	s4 =	simm.s32 $0x1BF5;
	[smem:$0x3FBB] =	sst s0  }
0x18: {  	s0 =	sld [smem:$0x3F9E];
	_ =	swait.ge [sflag:s4], $0x0  }
0x19: {  	s7 =	sld [smem:$0x3F9F]  }
0x1a: {  	s8 =	sadd.s32 $0xFFFFE003, lr  }
0x1b: {  	s9 =	sadd.s32 $0xFFFFFEF7, lr;
	s5 =	simm.s32 $0xFFFFFFFF;
	p2 =	slt.u32 s8, $0xFFFFF086  }
0x1c: {  	p1 =	slt.u32 s9, $0xF7A;
	s5 =	simm.s32 @!p2 $0x0  }
0x1d: {  	s5 =	simm.s32 @p1 $0x1;
	p0 =	seq.s32 s7, s2  }
0x1e: {  	s7 =	smul.u32 @!p0 $0xF7A, s2;
	p2 =	seq.s32 @!p0 s5, $0x0  }
0x1f: {  	s9 =	smul.u32 $0xF7A, s1;
	s8 =	simm.s32 @!p0 $0x1BF5;
	p2 =	por !p2, p0  }
0x20: {  	[sflag:s8] =	ssyncset.s32 @!p0 $0xFFFFF086;
	s6 =	sadd.s32 @!p0 s3, s7;
	s7 =	simm.s32 @!p0 $0x108  }
0x21: {  	s3 =	sadd.s32 s3, s9;
	s6 =	sadd.s32 @!p0 $0x88, s6;
	s7 =	simm.s32 @p2 $0x1082  }
0x22: {  	[simem:s7], [sflag:s8] =	dma.local @!p0 [hbm:s6], $0xF7A  }
0x23: {  	s9 =	sor.u32 $0xD0000000, s2;
	s6 =	simm.s32 $0x108;
	_ =	swait.ge @!p0 [sflag:s8], $0x0  }
0x24: {  	s3 =	sadd.s32 $0x88, s3;
	s6 =	simm.s32 @!p1 $0x1082;
	[sflag:s4] =	ssyncset.s32 $0xFFFFF086  }
0x25: {  	[simem:s6], [sflag:s4] =	dma.local [hbm:s3], $0xF7A  }
0x26: {  	[smem:$0x3F9F] =	sst s1;
	(tag) =	ssettag s2;
	_ =	strace s9  }
0x27: {  	s1 =	sld [smem:$0x3FAF]  }
0x28: {  	s2 =	sld [smem:$0x3FB0]  }
0x29: {  	s4 =	sld [smem:$0x3FB2]  }
0x2a: {  	p0 =	seq.s32 s5, $0x0;
	s5 =	sld [smem:$0x3FB3]  }
0x2b: {  	s6 =	sld [smem:$0x3FB4]  }
0x2c: {  	s7 =	sld [smem:$0x3FB5]  }
0x2d: {  	s3 =	simm.s32 $0x108;
	s8 =	sld [smem:$0x3FB6]  }
0x2e: {  	s3 =	simm.s32 @!p0 $0x1082;
	s9 =	sld [smem:$0x3FB7]  }
0x2f: {  	lr =	sadd.s32 s0, s3;
	s0 =	sld [smem:$0x3FAE]  }
0x30: {  	s3 =	sld [smem:$0x3FB1]  }
0x31: {  	[smem:$0x3FBA] =	sst s10  }
0x32: {  	s10 =	sld [smem:$0x3FB8];
	_ =	sdelay $0x3  }
0x33: {  	p0 =	seq.s32 s10, $0x1;
	s10 =	sld [smem:$0x3FBA];
	_ =	sdelay $0x3  }
0x34: {  	[smem:$0x3FBA] =	sst s10  }
0x35: {  	s10 =	sld [smem:$0x3FB9];
	_ =	sdelay $0x3  }
0x36: {  	p1 =	seq.s32 s10, $0x1;
	s10 =	sld [smem:$0x3FBA];
	_ =	sdelay $0x3  }
0x37: {  	[smem:$0x3FBA] =	sst s10  }
0x38: {  	s10 =	sld [smem:$0x3FBB]  }
0x39: {  	_ = 	snop;
	(pc) =	sbr.ind lr, $3  }
0x3a: {  	_ = 	snop  }
0x3b: {  	_ = 	snop  }
0x3c: {  	p2 =	seq.s32 s10, $0x1;
	s10 =	sld [smem:$0x3FBA]  }
0x3d: {  	_ =	shalt  }
0x3e: {  	_ =	shalt  }
0x3f: {  	_ =	shalt  }
0x40: {  	_ =	shalt  }
0x41: {  	_ =	shalt  }
0x42: {  	_ =	shalt  }
0x43: {  	_ =	shalt  }
0x44: {  	_ =	shalt  }
0x45: {  	_ =	shalt  }
0x46: {  	_ =	shalt  }
0x47: {  	_ =	shalt  }
0x48: {  	_ =	shalt  }
0x49: {  	_ =	shalt  }
0x4a: {  	_ =	shalt  }
0x4b: {  	_ =	shalt  }
0x4c: {  	_ =	shalt  }
0x4d: {  	_ =	shalt  }
0x4e: {  	_ =	shalt  }
0x4f: {  	_ =	shalt  }
0x50: {  	_ =	shalt  }
0x51: {  	_ =	shalt  }
0x52: {  	_ =	shalt  }
0x53: {  	_ =	shalt  }
0x54: {  	_ =	shalt  }
0x55: {  	_ =	shalt  }
0x56: {  	_ =	shalt  }
0x57: {  	_ =	shalt  }
0x58: {  	_ =	shalt  }
0x59: {  	_ =	shalt  }
0x5a: {  	_ =	shalt  }
0x5b: {  	_ =	shalt  }
0x5c: {  	_ =	shalt  }
0x5d: {  	_ =	shalt  }
0x5e: {  	_ =	shalt  }
0x5f: {  	_ =	shalt  }
0x60: {  	_ =	shalt  }
0x61: {  	_ =	shalt  }
0x62: {  	_ =	shalt  }
0x63: {  	_ =	shalt  }
0x64: {  	_ =	shalt  }
0x65: {  	_ =	shalt  }
0x66: {  	_ =	shalt  }
0x67: {  	_ =	shalt  }
0x68: {  	_ =	shalt  }
0x69: {  	_ =	shalt  }
0x6a: {  	_ =	shalt  }
0x6b: {  	_ =	shalt  }
0x6c: {  	_ =	shalt  }
0x6d: {  	_ =	shalt  }
0x6e: {  	_ =	shalt  }
0x6f: {  	_ =	shalt  }
0x70: {  	_ =	shalt  }
0x71: {  	_ =	shalt  }
0x72: {  	_ =	shalt  }
0x73: {  	_ =	shalt  }
0x74: {  	_ =	shalt  }
0x75: {  	_ =	shalt  }
0x76: {  	_ =	shalt  }
0x77: {  	_ =	shalt  }
0x78: {  	_ =	shalt  }
0x79: {  	_ =	shalt  }
0x7a: {  	_ =	shalt  }
0x7b: {  	_ =	shalt  }
0x7c: {  	_ =	shalt  }
0x7d: {  	_ =	shalt  }
0x7e: {  	_ =	shalt  }
0x7f: {  	_ =	shalt  }
0x80: {  	_ =	shalt  }
0x81: {  	_ =	shalt  }
0x82: {  	_ =	shalt  }
0x83: {  	_ =	shalt  }
0x84: {  	_ =	shalt  }
0x85: {  	_ =	shalt  }
0x86: {  	_ =	shalt  }
0x87: {  	_ =	shalt  }
.Lfunc_end0:
.L_simem_size_0:
called_computation_lowered:
.L_overlay_start_0:
0x88: {  	s2 =	sld [smem:$0x3FD9]  }
0x89: {  	s3 =	sld [smem:$0x3FFE];
	_ =	sdelay $0x1  }
0x8a: {  	s1 =	srdreg.scid  }
0x8b: {  	s0 =	sand.u32 $0x1, s1  }
0x8c: {  	s17 =	sshll.u32 s0, $0xA;
	s2 =	sadd.s32 s3, s2  }
0x8d: {  	s2 =	sadd.s32 s2, s17  }
0x8e: {  	[smem:$0x3FC6] =	sst s2  }
0x8f: {  	_ = 	snop  }
0x90: {  	s2 =	sld [smem:$0x3FC8]  }
0x91: {  	s18 =	sld [smem:$0x3FD0];
	(tm) =	ssettm $0x1  }
0x92: {  	s4 =	sld [smem:$0x3FFB];
	_ =	sdelay $0x3  }
0x93: {  	_ =	strace s4  }
0x94: {  	s4 =	sld [smem:$0x3FFC];
	_ =	sdelay $0x3  }
0x95: {  	_ =	strace s4  }
0x96: {  	s4 =	sld [smem:$0x3FFD];
	_ =	sdelay $0x3  }
0x97: {  	_ =	strace s4  }
0x98: {  	_ =	strace $0x8FFFFFFF  }
0x99: {  	s19 =	sld [smem:$0x3FDB];
	_ =	sdelay $0x1  }
0x9a: {  	s5 =	simm.s32 $_scs_section_size  }
0x9b: {  	s6 =	simm.s32 $_size__tile_overlayer_lowered;
	s7 =	simm.s32 $_tile_overlayer_lowered  }
0x9c: {  	s22 =	simm.s32 $0x1BFF;
	s21 =	sshll.u32 s7, $0x1;
	s4 =	sadd.s32 s5, s19  }
0x9d: {  	s8 =	simm.s32 $0x0;
	s20 =	sshll.u32 s6, $0x1;
	s6 =	sadd.s32 s21, s4  }
0x9e: {  	[timem:s8], [sflag:s22] =	dma.local [hbm:s6], s20  }
0x9f: {  	_ =	swait.ge [sflag:s22], s20  }
0xa0: {  	s5 =	ssub.s32 $0x0, s20;
	[sflag:s22] =	ssyncset.done $0x0  }
0xa1: {  	[sflag:s22] =	ssyncadd.s32 s5;
	_ =	sdelay $0x1  }
0xa2: {  	s23 =	simm.s32 $0x1B8B  }
0xa3: {  	_ =	swait.ge [sflag:s23], $0x1  }
0xa4: {  	[sflag:s23] =	ssyncset.done $0x0  }
0xa5: {  	s25 =	simm.s32 $0x1B8E;
	s24 =	sld [smem:$0x3FFE];
	[sflag:s23] =	ssyncadd.s32 $0xFFFFFFFF  }
0xa6: {  	s26 =	simm.s32 $execute0_lowered;
	[smem:$0x3FD2] =	sst s25  }
0xa7: {  	s6 =	sshll.u32 s26, $0x1;
	_ =	strace $0x80000046;
	[dreg:$0x1] =	wrdreg $0xFFFFFFFF  }
0xa8: {  	s28 =	simm.s32 $_size_execute0_lowered;
	s4 =	sadd.s32 s4, s6;
	[dreg:$0x0] =	wrdreg $0x0  }
0xa9: {  	s6 =	sshll.u32 s28, $0x1;
	[dreg:$0x2] =	wrdreg s4  }
0xaa: {  	[dreg:$0x3] =	wrdreg s6  }
0xab: {  	[dreg:$0x4] =	wrdreg $0xC0  }
0xac: {  	_ =	task [dreg:s8], $0x5FFFF  }
0xad: {  	[dreg:$0x1] =	wrdreg $0xFFFFFFFF  }
0xae: {  	[dreg:$0x0] =	wrdreg $0x60  }
0xaf: {  	[dreg:$0x2] =	wrdreg s24  }
0xb0: {  	[dreg:$0x3] =	wrdreg s2  }
0xb1: {  	[dreg:$0x4] =	wrdreg s18  }
0xb2: {  	[dreg:$0x5] =	wrdreg $0x9  }
0xb3: {  	_ =	task.clear_ibuf [dreg:s8], $0x6FFFF;
	_ =	strace $0x90000046  }
0xb4: {  	s29 =	simm.s32 $0x9;
	_ =	strace $0x80000048  }
0xb5: {  	_ =	swait.ge [sflag:s29], $0x1  }
0xb6: {  	[sflag:s29] =	ssyncadd.s32 $0xFFFFFFFF  }
0xb7: {  	_ =	strace $0x90000048  }
0xb8: {  	_ =	sfence  }
0xb9: {  	s30 =	sld [smem:$0x0];
	_ =	sdelay $0x2  }
0xba: {  	s31 =	sshll.u32 s1, $0xD;
	s1 =	sshrl.u32 s1, $0x2  }
0xbb: {  	s3 =	sand.u32 $0x4000, s31;
	s1 =	sadd.s32 s1, s30  }
0xbc: {  	s0 =	sor.u32 s3, s0;
	s1 =	sshll.u32 s1, $0x11  }
0xbd: {  	s0 =	sor.u32 s1, s0  }
0xbe: {  	s0 =	sadd.s32 $0x8F2B, s0  }
0xbf: {  	[sflag:s0] =	ssyncadd.remote.s32 $0x1  }
0xc0: {  	_ =	sfence.sel $0xFFFF  }
0xc1: {  	[dreg:$0x0] =	wrdreg $0xFFFFFFFF;
	(pc) =	sbr.abs _section_cstart, $3  }
0xc2: {  	[dreg:$0x1] =	wrdreg $0xFFFFFFFF  }
0xc3: {  	_ =	task.clear_ibuf [dreg:s8], $0x2FFFF;
	_ =	strace $0x9FFFFFFF  }
0xc4: {  	(tm) =	ssettm $0x7FFFFFFF  }
0xc5: {  	_ =	shalt  }
tec
execute0_lowered:
.L_overlay_start_1:
0x0: {  	(tag) =	ssettag $0x1  }
0x1: {  	s0 =	rddreg [dreg:$0x0]  }
0x2: {  	s2 =	rddreg [dreg:$0x1]  }
0x3: {  	s1 =	rddreg [dreg:$0x2]  }
0x4: {  	s3 =	srdreg.scid;
	s10 =	stileid.u32;
	s12 =	simm.s32 $0x2000  }
0x5: {  	s20 =	simm.s32 $0x6000;
	s29 =	simm.s32 $0x1;
	s30 =	simm.s32 $0xA000  }
0x6: {  	s11 =	simm.s32 $0xD800;
	s13 =	simm.s32 $0x2;
	s14 =	simm.s32 $0xE000  }
0x7: {  	s15 =	simm.s32 $0xE800;
	s16 =	simm.s32 $0xF000;
	s17 =	simm.s32 $0xF800  }
0x8: {  	s18 =	simm.s32 $0x10000;
	s19 =	simm.s32 $0x10800;
	s21 =	simm.s32 $0x11000  }
0x9: {  	s22 =	simm.s32 $0x11800;
	s23 =	simm.s32 $0x3;
	s28 =	simm.s32 $0x0  }
0xa: {  	s4 =	sand.u32 $0x1, s3;
	s5 =	sshll.u32 s10, $0x1;
	s3 =	simm.s32 $0x0  }
0xb: {  	s24 =	sshll.u32 s10, $0x12;
	s5 =	sor.u32 s4, s5;
	s6 =	ssub.s32 $0x2, s4  }
0xc: {  	[smem:$0x7FF] =	sst s3;
	s25 =	sshll.u32 s4, $0x11;
	s4 =	simm.s32 $0xC000  }
0xd: {  	s7 =	sshll.u32 s5, $0xA;
	s8 =	sshrl.u32 s6, $0x1;
	_ =	strace $0x80000047  }
0xe: {  	s9 =	sshll.u32 s5, $0x11;
	s5 =	sadd.s32 $0x100, s2;
	s0 =	sadd.s32 s7, s0  }
0xf: {  	s8 =	ssub.s32 s6, s8;
	s6 =	sadd.s32 $0x200, s2;
	s7 =	sadd.s32 $0x300, s2  }
.Ltmp0:
0x10: {  	s9 =	sadd.s32 s9, s1;
	s0 =	sadd.s32 $0x400, s0;
	(pc) =	sbr.rel .LBB2_1-.Ltmp0, $4  }
0x11: {  	s26 =	sadd.s32 $0x1F800, s9;
	s31 =	smax.u32 s8, $0x1;
	[dreg:$0x4] =	wrdreg s0  }
0x12: {  	v2 =	vlaneseq.u32;
	s8 =	simm.s32 $0xC800;
	s9 =	simm.s32 $0xD000;
	[dreg:$0x5] =	wrdreg s26  }
0x13: {  	vm0 =	vmmov $0xffff;
	v1 =	vshrl.u32 v2, $0x3;
	s0 =	sadd.s32 s24, s1;
	[dreg:$0x6] =	wrdreg s31;
	s24 =	simm.s32 $0x4  }
0x14: {  	v0 =	vand.u32 $0x7, v2;
	v2 =	vor.u32 $0x8, v2;
	v1 =	vmul.u32 $0x8, v1;
	s26 =	simm.s32 $0x6;
	s10 =	sadd.s32 s25, s0;
	s25 =	simm.s32 $0x5  }
.LBB2_4:
0x15: {  	_ =	swait.ge [sflag:s24], $0x4000  }
0x16: {  	[sflag:s24] =	ssyncset.done $0x0  }
0x17: {  	s0 =	rddreg [dreg:$0x5];
	[sflag:s24] =	ssyncadd.s32 $0xFFFFC000  }
0x18: {  	[hbm4b:s0+s3] =	stream.linear.scatter [tilespmem:s14], [sflag:$0x8], $0x4000, $0x38;
	[tilespmem:$0x12000] =	vst v63  }
0x19: {  	_ =	swait.ge [sflag:s25], $0x4000  }
0x1a: {  	[sflag:s25] =	ssyncset.done $0x0  }
0x1b: {  	[sflag:s25] =	ssyncadd.s32 $0xFFFFC000  }
0x1c: {  	_ =	swait.ge [sflag:s26], $0x4000  }
0x1d: {  	[sflag:s26] =	ssyncset.done $0x0  }
0x1e: {  	s1 =	simm.s32 $0x7;
	[sflag:s26] =	ssyncadd.s32 $0xFFFFC000  }
0x1f: {  	_ =	swait.ge [sflag:s1], $0x4000  }
0x20: {  	[sflag:s1] =	ssyncset.done $0x0  }
0x21: {  	[sflag:s1] =	ssyncadd.s32 $0xFFFFC000;
	s1 =	simm.s32 $0x8  }
0x22: {  	_ =	swait.ge [sflag:s1], $0x4000  }
0x23: {  	s28 =	rddreg [dreg:$0x7]  }
0x24: {  	s31 =	rddreg [dreg:$0x6];
	s28 =	sadd.s32 $0x1, s28  }
0x25: {  	p0 =	sne.s32 s28, s31  }
.Ltmp1:
0x26: {  	_ = 	snop;
	(pc) =	sbr.rel @!p0 .LBB2_5-.Ltmp1, $3  }
0x27: {  	_ =	sdelay $0x1  }
0x28: {  	[sflag:s1] =	ssyncset.done $0x0  }
0x29: {  	[sflag:s1] =	ssyncadd.s32 $0xFFFFC000  }
.LBB2_1:
0x2a: {  	[dreg:$0x7] =	wrdreg s28  }
0x2b: {  	s0 =	rddreg [dreg:$0x4];
	s1 =	simm.s32 $0x9  }
0x2c: {  	[tilespmem:s3], [sflag:$0x9] =	stream.linear.gather [hbm4b:s0+s3], $0x2000, $0x38;
	[tilespmem:$0x12000] =	vst v63  }
0x2d: {  	_ =	swait.ge [sflag:s1], $0x2000  }
0x2e: {  	[sflag:s1] =	ssyncset.done $0x0  }
0x2f: {  	[sflag:s1] =	ssyncadd.s32 $0xFFFFE000  }
0x30: {  	v3 =	vld [tilespmem:$0x0];
	_ =	sdelay $0x4  }
0x31: {  	v4 =	vshll.u32 v3, $0x3  }
0x32: {  	v3 =	vand.u32 $0x7, v3;
	v4 =	vand.u32 $0xFFFFFFC0, v4  }
0x33: {  	v3 =	vor.u32 v3, v4  }
0x34: {  	v4 =	vperm.xlane v3, v0;
	_ =	sdelay $0x1  }
0x35: {  	v4 =	vadd.s32 v1, v4;
	_ =	sdelay $0x4  }
0x36: {  	[tilespmem:s12], [sflag:$0x1] =	stream.indirect_vreg.gather [hbm4b:s2+s3], $0x80, v4, vm0, $0xb8;
	[tilespmem:$0x12000] =	vst v63  }
0x37: {  	s1 =	simm.s32 $0x2800;
	v3 =	vperm.xlane v3, v2  }
0x38: {  	[tilespmem:s1], [sflag:$0x1] =	stream.indirect_vreg.gather [hbm4b:s5+s3], $0x80, v4, vm0, $0xb8;
	[tilespmem:$0x12000] =	vst v63  }
0x39: {  	v3 =	vadd.s32 v1, v3;
	s1 =	simm.s32 $0x3000  }
0x3a: {  	[tilespmem:s1], [sflag:$0x1] =	stream.indirect_vreg.gather [hbm4b:s6+s3], $0x80, v4, vm0, $0xb8;
	[tilespmem:$0x12000] =	vst v63  }
0x3b: {  	s1 =	simm.s32 $0x3800  }
0x3c: {  	[tilespmem:s1], [sflag:$0x1] =	stream.indirect_vreg.gather [hbm4b:s7+s3], $0x80, v4, vm0, $0xb8;
	[tilespmem:$0x12000] =	vst v63  }
0x3d: {  	s1 =	simm.s32 $0x4000  }
0x3e: {  	[tilespmem:s1], [sflag:$0x1] =	stream.indirect_vreg.gather [hbm4b:s2+s3], $0x80, v3, vm0, $0xb8;
	[tilespmem:$0x12000] =	vst v63  }
0x3f: {  	s1 =	simm.s32 $0x4800  }
0x40: {  	[tilespmem:s1], [sflag:$0x1] =	stream.indirect_vreg.gather [hbm4b:s5+s3], $0x80, v3, vm0, $0xb8;
	[tilespmem:$0x12000] =	vst v63  }
0x41: {  	s1 =	simm.s32 $0x5000  }
0x42: {  	[tilespmem:s1], [sflag:$0x1] =	stream.indirect_vreg.gather [hbm4b:s6+s3], $0x80, v3, vm0, $0xb8;
	[tilespmem:$0x12000] =	vst v63  }
0x43: {  	s1 =	simm.s32 $0x5800  }
0x44: {  	[tilespmem:s1], [sflag:$0x1] =	stream.indirect_vreg.gather [hbm4b:s7+s3], $0x80, v3, vm0, $0xb8;
	[tilespmem:$0x12000] =	vst v63  }
0x45: {  	v3 =	vld [tilespmem:$0x80];
	_ =	sdelay $0x4  }
0x46: {  	v63 =	vshll.u32 v3, $0x3  }
0x47: {  	v3 =	vand.u32 $0x7, v3;
	v4 =	vand.u32 $0xFFFFFFC0, v63  }
0x48: {  	v3 =	vor.u32 v3, v4  }
0x49: {  	v4 =	vperm.xlane v3, v0;
	_ =	sdelay $0x1  }
0x4a: {  	v4 =	vadd.s32 v1, v4;
	_ =	sdelay $0x4  }
0x4b: {  	[tilespmem:s20], [sflag:$0x2] =	stream.indirect_vreg.gather [hbm4b:s2+s3], $0x80, v4, vm0, $0xb8;
	[tilespmem:$0x12000] =	vst v63  }
0x4c: {  	s1 =	simm.s32 $0x6800;
	v3 =	vperm.xlane v3, v2  }
0x4d: {  	[tilespmem:s1], [sflag:$0x2] =	stream.indirect_vreg.gather [hbm4b:s5+s3], $0x80, v4, vm0, $0xb8;
	[tilespmem:$0x12000] =	vst v63  }
0x4e: {  	v3 =	vadd.s32 v1, v3;
	s1 =	simm.s32 $0x7000  }
0x4f: {  	[tilespmem:s1], [sflag:$0x2] =	stream.indirect_vreg.gather [hbm4b:s6+s3], $0x80, v4, vm0, $0xb8;
	[tilespmem:$0x12000] =	vst v63  }
0x50: {  	s1 =	simm.s32 $0x7800  }
0x51: {  	[tilespmem:s1], [sflag:$0x2] =	stream.indirect_vreg.gather [hbm4b:s7+s3], $0x80, v4, vm0, $0xb8;
	[tilespmem:$0x12000] =	vst v63  }
0x52: {  	s1 =	simm.s32 $0x8000  }
0x53: {  	[tilespmem:s1], [sflag:$0x2] =	stream.indirect_vreg.gather [hbm4b:s2+s3], $0x80, v3, vm0, $0xb8;
	[tilespmem:$0x12000] =	vst v63  }
0x54: {  	s1 =	simm.s32 $0x8800  }
0x55: {  	[tilespmem:s1], [sflag:$0x2] =	stream.indirect_vreg.gather [hbm4b:s5+s3], $0x80, v3, vm0, $0xb8;
	[tilespmem:$0x12000] =	vst v63  }
0x56: {  	s1 =	simm.s32 $0x9000  }
0x57: {  	[tilespmem:s1], [sflag:$0x2] =	stream.indirect_vreg.gather [hbm4b:s6+s3], $0x80, v3, vm0, $0xb8;
	[tilespmem:$0x12000] =	vst v63  }
0x58: {  	s28 =	simm.s32 $0x180;
	s31 =	simm.s32 $0x0;
	s1 =	simm.s32 $0x9800  }
0x59: {  	[tilespmem:s1], [sflag:$0x2] =	stream.indirect_vreg.gather [hbm4b:s7+s3], $0x80, v3, vm0, $0xb8;
	[tilespmem:$0x12000] =	vst v63  }
.LBB2_2:
0x5a: {  	_ =	swait.ge [sflag:s29], $0x4000  }
0x5b: {  	p0 =	seq.s32 s31, $0x0;
	[sflag:s29] =	ssyncset.done $0x0  }
0x5c: {  	s0 =	sadd.s32 s31, s10;
	s1 =	simm.s32 @!p0 $0x7;
	[sflag:s29] =	ssyncadd.s32 $0xFFFFC000  }
0x5d: {  	[hbm4b:s0+s3] =	stream.linear.scatter [tilespmem:s12], [sflag:$0x5], $0x4000, $0x38;
	[tilespmem:$0x12000] =	vst v63  }
0x5e: {  	_ =	swait.ge @!p0 [sflag:s1], $0x4000  }
0x5f: {  	[sflag:s1] =	ssyncset.done @!p0 $0x0  }
0x60: {  	[sflag:s1] =	ssyncadd.s32 @!p0 $0xFFFFC000  }
0x61: {  	v3 =	vld [tilespmem:s28+$0xFFFFFF80];
	_ =	sdelay $0x4  }
0x62: {  	v4 =	vshll.u32 v3, $0x3  }
0x63: {  	v3 =	vand.u32 $0x7, v3;
	v4 =	vand.u32 $0xFFFFFFC0, v4  }
0x64: {  	v3 =	vor.u32 v3, v4  }
0x65: {  	v4 =	vperm.xlane v3, v0;
	_ =	sdelay $0x1  }
0x66: {  	v4 =	vadd.s32 v1, v4;
	_ =	sdelay $0x4  }
0x67: {  	[tilespmem:s30], [sflag:$0x3] =	stream.indirect_vreg.gather [hbm4b:s2+s3], $0x80, v4, vm0, $0xb8;
	[tilespmem:$0x12000] =	vst v63  }
0x68: {  	s1 =	simm.s32 $0xA800;
	v3 =	vperm.xlane v3, v2  }
0x69: {  	[tilespmem:s1], [sflag:$0x3] =	stream.indirect_vreg.gather [hbm4b:s5+s3], $0x80, v4, vm0, $0xb8;
	[tilespmem:$0x12000] =	vst v63  }
0x6a: {  	v3 =	vadd.s32 v1, v3;
	s1 =	simm.s32 $0xB000  }
0x6b: {  	[tilespmem:s1], [sflag:$0x3] =	stream.indirect_vreg.gather [hbm4b:s6+s3], $0x80, v4, vm0, $0xb8;
	[tilespmem:$0x12000] =	vst v63  }
0x6c: {  	s1 =	simm.s32 $0xB800  }
0x6d: {  	[tilespmem:s1], [sflag:$0x3] =	stream.indirect_vreg.gather [hbm4b:s7+s3], $0x80, v4, vm0, $0xb8;
	[tilespmem:$0x12000] =	vst v63  }
0x6e: {  	_ = 	snop  }
0x6f: {  	[tilespmem:s4], [sflag:$0x3] =	stream.indirect_vreg.gather [hbm4b:s2+s3], $0x80, v3, vm0, $0xb8;
	[tilespmem:$0x12000] =	vst v63  }
0x70: {  	_ = 	snop  }
0x71: {  	[tilespmem:s8], [sflag:$0x3] =	stream.indirect_vreg.gather [hbm4b:s5+s3], $0x80, v3, vm0, $0xb8;
	[tilespmem:$0x12000] =	vst v63  }
0x72: {  	_ = 	snop  }
0x73: {  	[tilespmem:s9], [sflag:$0x3] =	stream.indirect_vreg.gather [hbm4b:s6+s3], $0x80, v3, vm0, $0xb8;
	[tilespmem:$0x12000] =	vst v63  }
0x74: {  	_ = 	snop  }
0x75: {  	[tilespmem:s11], [sflag:$0x3] =	stream.indirect_vreg.gather [hbm4b:s7+s3], $0x80, v3, vm0, $0xb8;
	[tilespmem:$0x12000] =	vst v63  }
0x76: {  	_ =	swait.ge [sflag:s13], $0x4000  }
0x77: {  	[sflag:s13] =	ssyncset.done $0x0  }
0x78: {  	s1 =	sadd.s32 $0x800, s0;
	[sflag:s13] =	ssyncadd.s32 $0xFFFFC000  }
0x79: {  	[hbm4b:s1+s3] =	stream.linear.scatter [tilespmem:s20], [sflag:$0x6], $0x4000, $0x38;
	[tilespmem:$0x12000] =	vst v63  }
0x7a: {  	s1 =	simm.s32 @!p0 $0x8  }
0x7b: {  	_ =	swait.ge @!p0 [sflag:s1], $0x4000  }
0x7c: {  	[sflag:s1] =	ssyncset.done @!p0 $0x0  }
0x7d: {  	[sflag:s1] =	ssyncadd.s32 @!p0 $0xFFFFC000  }
0x7e: {  	v3 =	vld [tilespmem:s28+$0x0];
	_ =	sdelay $0x4  }
0x7f: {  	v63 =	vshll.u32 v3, $0x3  }
0x80: {  	v3 =	vand.u32 $0x7, v3;
	v4 =	vand.u32 $0xFFFFFFC0, v63  }
0x81: {  	v3 =	vor.u32 v3, v4  }
0x82: {  	v4 =	vperm.xlane v3, v0;
	_ =	sdelay $0x1  }
0x83: {  	v4 =	vadd.s32 v1, v4;
	_ =	sdelay $0x4  }
0x84: {  	[tilespmem:s14], [sflag:$0x4] =	stream.indirect_vreg.gather [hbm4b:s2+s3], $0x80, v4, vm0, $0xb8;
	[tilespmem:$0x12000] =	vst v63  }
0x85: {  	v3 =	vperm.xlane v3, v2  }
0x86: {  	[tilespmem:s15], [sflag:$0x4] =	stream.indirect_vreg.gather [hbm4b:s5+s3], $0x80, v4, vm0, $0xb8;
	[tilespmem:$0x12000] =	vst v63  }
0x87: {  	v3 =	vadd.s32 v1, v3  }
0x88: {  	[tilespmem:s16], [sflag:$0x4] =	stream.indirect_vreg.gather [hbm4b:s6+s3], $0x80, v4, vm0, $0xb8;
	[tilespmem:$0x12000] =	vst v63  }
0x89: {  	_ = 	snop  }
0x8a: {  	[tilespmem:s17], [sflag:$0x4] =	stream.indirect_vreg.gather [hbm4b:s7+s3], $0x80, v4, vm0, $0xb8;
	[tilespmem:$0x12000] =	vst v63  }
0x8b: {  	_ = 	snop  }
0x8c: {  	[tilespmem:s18], [sflag:$0x4] =	stream.indirect_vreg.gather [hbm4b:s2+s3], $0x80, v3, vm0, $0xb8;
	[tilespmem:$0x12000] =	vst v63  }
0x8d: {  	_ = 	snop  }
0x8e: {  	[tilespmem:s19], [sflag:$0x4] =	stream.indirect_vreg.gather [hbm4b:s5+s3], $0x80, v3, vm0, $0xb8;
	[tilespmem:$0x12000] =	vst v63  }
0x8f: {  	_ = 	snop  }
0x90: {  	[tilespmem:s21], [sflag:$0x4] =	stream.indirect_vreg.gather [hbm4b:s6+s3], $0x80, v3, vm0, $0xb8;
	[tilespmem:$0x12000] =	vst v63  }
0x91: {  	p0 =	seq.s32 s31, $0x1E000  }
0x92: {  	[tilespmem:s22], [sflag:$0x4] =	stream.indirect_vreg.gather [hbm4b:s7+s3], $0x80, v3, vm0, $0xb8;
	[tilespmem:$0x12000] =	vst v63  }
.Ltmp2:
0x93: {  	_ = 	snop;
	(pc) =	sbr.rel @p0 .LBB2_4-.Ltmp2, $4  }
0x94: {  	_ =	swait.ge [sflag:s23], $0x4000  }
0x95: {  	[sflag:s23] =	ssyncset.done $0x0  }
0x96: {  	s1 =	sadd.s32 $0x1000, s0;
	[sflag:s23] =	ssyncadd.s32 $0xFFFFC000  }
0x97: {  	[hbm4b:s1+s3] =	stream.linear.scatter [tilespmem:s30], [sflag:$0x7], $0x4000, $0x38;
	[tilespmem:$0x12000] =	vst v63  }
0x98: {  	_ =	swait.ge [sflag:s25], $0x4000  }
0x99: {  	[sflag:s25] =	ssyncset.done $0x0  }
0x9a: {  	[sflag:s25] =	ssyncadd.s32 $0xFFFFC000  }
0x9b: {  	v3 =	vld [tilespmem:s28+$0x80];
	_ =	sdelay $0x4  }
0x9c: {  	v4 =	vshll.u32 v3, $0x3  }
0x9d: {  	v3 =	vand.u32 $0x7, v3;
	v4 =	vand.u32 $0xFFFFFFC0, v4  }
0x9e: {  	v3 =	vor.u32 v3, v4  }
0x9f: {  	v4 =	vperm.xlane v3, v0;
	_ =	sdelay $0x1  }
0xa0: {  	v4 =	vadd.s32 v1, v4;
	_ =	sdelay $0x4  }
0xa1: {  	[tilespmem:s12], [sflag:$0x1] =	stream.indirect_vreg.gather [hbm4b:s2+s3], $0x80, v4, vm0, $0xb8;
	[tilespmem:$0x12000] =	vst v63  }
0xa2: {  	s1 =	simm.s32 $0x2800;
	v3 =	vperm.xlane v3, v2  }
0xa3: {  	[tilespmem:s1], [sflag:$0x1] =	stream.indirect_vreg.gather [hbm4b:s5+s3], $0x80, v4, vm0, $0xb8;
	[tilespmem:$0x12000] =	vst v63  }
0xa4: {  	v3 =	vadd.s32 v1, v3;
	s1 =	simm.s32 $0x3000  }
0xa5: {  	[tilespmem:s1], [sflag:$0x1] =	stream.indirect_vreg.gather [hbm4b:s6+s3], $0x80, v4, vm0, $0xb8;
	[tilespmem:$0x12000] =	vst v63  }
0xa6: {  	s1 =	simm.s32 $0x3800  }
0xa7: {  	[tilespmem:s1], [sflag:$0x1] =	stream.indirect_vreg.gather [hbm4b:s7+s3], $0x80, v4, vm0, $0xb8;
	[tilespmem:$0x12000] =	vst v63  }
0xa8: {  	s1 =	simm.s32 $0x4000  }
0xa9: {  	[tilespmem:s1], [sflag:$0x1] =	stream.indirect_vreg.gather [hbm4b:s2+s3], $0x80, v3, vm0, $0xb8;
	[tilespmem:$0x12000] =	vst v63  }
0xaa: {  	s1 =	simm.s32 $0x4800  }
0xab: {  	[tilespmem:s1], [sflag:$0x1] =	stream.indirect_vreg.gather [hbm4b:s5+s3], $0x80, v3, vm0, $0xb8;
	[tilespmem:$0x12000] =	vst v63  }
0xac: {  	s1 =	simm.s32 $0x5000  }
0xad: {  	[tilespmem:s1], [sflag:$0x1] =	stream.indirect_vreg.gather [hbm4b:s6+s3], $0x80, v3, vm0, $0xb8;
	[tilespmem:$0x12000] =	vst v63  }
0xae: {  	s1 =	simm.s32 $0x5800  }
0xaf: {  	[tilespmem:s1], [sflag:$0x1] =	stream.indirect_vreg.gather [hbm4b:s7+s3], $0x80, v3, vm0, $0xb8;
	[tilespmem:$0x12000] =	vst v63  }
0xb0: {  	_ =	swait.ge [sflag:s24], $0x4000  }
0xb1: {  	[sflag:s24] =	ssyncset.done $0x0  }
0xb2: {  	s0 =	sadd.s32 $0x1800, s0;
	[sflag:s24] =	ssyncadd.s32 $0xFFFFC000  }
0xb3: {  	[hbm4b:s0+s3] =	stream.linear.scatter [tilespmem:s14], [sflag:$0x8], $0x4000, $0x38;
	[tilespmem:$0x12000] =	vst v63  }
0xb4: {  	_ =	swait.ge [sflag:s26], $0x4000  }
0xb5: {  	[sflag:s26] =	ssyncset.done $0x0  }
0xb6: {  	[sflag:s26] =	ssyncadd.s32 $0xFFFFC000  }
0xb7: {  	v3 =	vld [tilespmem:s28+$0x100];
	_ =	sdelay $0x4  }
0xb8: {  	v63 =	vshll.u32 v3, $0x3  }
0xb9: {  	v3 =	vand.u32 $0x7, v3;
	v4 =	vand.u32 $0xFFFFFFC0, v63  }
0xba: {  	v3 =	vor.u32 v3, v4  }
0xbb: {  	v4 =	vperm.xlane v3, v0;
	_ =	sdelay $0x1  }
0xbc: {  	v4 =	vadd.s32 v1, v4;
	_ =	sdelay $0x4  }
0xbd: {  	[tilespmem:s20], [sflag:$0x2] =	stream.indirect_vreg.gather [hbm4b:s2+s3], $0x80, v4, vm0, $0xb8;
	[tilespmem:$0x12000] =	vst v63  }
0xbe: {  	s1 =	simm.s32 $0x6800;
	v3 =	vperm.xlane v3, v2  }
0xbf: {  	[tilespmem:s1], [sflag:$0x2] =	stream.indirect_vreg.gather [hbm4b:s5+s3], $0x80, v4, vm0, $0xb8;
	[tilespmem:$0x12000] =	vst v63  }
0xc0: {  	v3 =	vadd.s32 v1, v3;
	s1 =	simm.s32 $0x7000  }
0xc1: {  	[tilespmem:s1], [sflag:$0x2] =	stream.indirect_vreg.gather [hbm4b:s6+s3], $0x80, v4, vm0, $0xb8;
	[tilespmem:$0x12000] =	vst v63  }
0xc2: {  	s1 =	simm.s32 $0x7800  }
0xc3: {  	[tilespmem:s1], [sflag:$0x2] =	stream.indirect_vreg.gather [hbm4b:s7+s3], $0x80, v4, vm0, $0xb8;
	[tilespmem:$0x12000] =	vst v63  }
0xc4: {  	s1 =	simm.s32 $0x8000  }
0xc5: {  	[tilespmem:s1], [sflag:$0x2] =	stream.indirect_vreg.gather [hbm4b:s2+s3], $0x80, v3, vm0, $0xb8;
	[tilespmem:$0x12000] =	vst v63  }
0xc6: {  	s1 =	simm.s32 $0x8800  }
0xc7: {  	[tilespmem:s1], [sflag:$0x2] =	stream.indirect_vreg.gather [hbm4b:s5+s3], $0x80, v3, vm0, $0xb8;
	[tilespmem:$0x12000] =	vst v63  }
.Ltmp3:
0xc8: {  	_ = 	snop;
	(pc) =	sbr.rel .LBB2_2-.Ltmp3, $4  }
0xc9: {  	s1 =	simm.s32 $0x9000  }
0xca: {  	[tilespmem:s1], [sflag:$0x2] =	stream.indirect_vreg.gather [hbm4b:s6+s3], $0x80, v3, vm0, $0xb8;
	[tilespmem:$0x12000] =	vst v63  }
0xcb: {  	s31 =	sadd.s32 $0x2000, s31;
	s28 =	sadd.s32 $0x200, s28;
	s1 =	simm.s32 $0x9800  }
0xcc: {  	[tilespmem:s1], [sflag:$0x2] =	stream.indirect_vreg.gather [hbm4b:s7+s3], $0x80, v3, vm0, $0xb8;
	[tilespmem:$0x12000] =	vst v63  }
.LBB2_5:
0xcd: {  	_ =	sfence.sel $0x180000  }
0xce: {  	[bflag:$0x0] =	sbarrier.arrive $0xFFFF  }
0xcf: {  	_ =	strace $0x90000047  }
0xd0: {  	s0 =	stileid.u32;
	[bflag:$0x2] =	sbarrier.arrive $0xFFFF  }
0xd1: {  	p0 =	sne.s32 s0, $0x0;
	s0 =	rddreg [dreg:$0x3]  }
0xd2: {  	s0 =	sadd.s32 @!p0 $0x100000, s0  }
0xd3: {  	[sflag:s0] =	ssyncadd.tile.s32 @!p0 $0x1;
	_ =	shalt  }
.Lfunc_end2:
_tile_overlayer_lowered:
.L_overlay_start_2:
0xd4: {  	(tag) =	ssettag $0x2  }
0xd5: {  	s0 =	rddreg [dreg:$0x0];
	s2 =	stileid.u32  }
0xd6: {  	s1 =	rddreg [dreg:$0x1];
	p0 =	sne.s32 s2, $0x0  }
0xd7: {  	s3 =	rddreg [dreg:$0x2];
	[bflag:$0x3] =	sbarrier.arrive $0xFFFF;
	s2 =	simm.s32 @!p0 $0x1C09  }
0xd8: {  	[timem:s3], [sflag:s2] =	dma.local @!p0 [hbm:s0], s1  }
0xd9: {  	s0 =	simm.s32 @!p0 $0x9  }
0xda: {  	_ =	swait.ge @!p0 [sflag:s0], s1  }
0xdb: {  	s1 =	ssub.s32 @!p0 $0x0, s1;
	[sflag:s0] =	ssyncset.done @!p0 $0x0  }
0xdc: {  	[sflag:s0] =	ssyncadd.s32 @!p0 s1  }
0xdd: {  	[bflag:$0x3] =	sbarrier.arrive $0xFFFF  }
0xde: {  	_ =	shalt  }

</sc_bundles>
